<compile_context>
chip_gen: v7x
topology: tpu7x:2x2x1
jax: 0.10.2.dev20260603
libtpu: 0.0.44.dev20260713+nightly
codegen_flags: <defaults>
</compile_context>

<pallas_src>
import functools

import jax
import jax.numpy as jnp
from jax import lax
from jax.experimental import pallas as pl
from jax.experimental.pallas import tpu as pltpu
from jax.experimental.pallas import tpu_sc as plsc

_info = plsc.get_sparse_core_info()
_NC, _NS, _L = _info.num_cores, _info.num_subcores, _info.num_lanes
_NW = _NC * _NS

_BATCH, _SEQ, _VOCAB, _DIM = 4, 8192, 8, 4
_TOK = _BATCH * _SEQ
_TILES = _SEQ // 128
_GROUPS = _TILES // 8
_TPW = _TOK // _NW
_OPW = _TPW * _DIM
_STEPS = _TPW // _L
_TAB = _VOCAB * _DIM


@functools.partial(
    pl.kernel,
    mesh=plsc.VectorSubcoreMesh(core_axis_name="c", subcore_axis_name="s"),
    out_type=jax.ShapeDtypeStruct((_TOK * _DIM,), jnp.float32),
    compiler_params=pltpu.CompilerParams(
        needs_layout_passes=False,
        use_tc_tiling_on_sc=False,
        disable_bounds_checks=True,
    ),
    scratch_types=[
        pltpu.VMEM((8, 128), jnp.int32),
        pltpu.VMEM((_TAB,), jnp.int32),
        pltpu.VMEM((_OPW,), jnp.float32),
        pltpu.SemaphoreType.DMA,
        pltpu.SemaphoreType.DMA,
    ],
)
def _embed_sc(in_hbm, out_hbm, ids_v, tab_v, out_v, sem_t, sem_i):
    wid = lax.axis_index("s") * _NC + lax.axis_index("c")
    b = wid // _GROUPS
    g = wid % _GROUPS
    cp_t = pltpu.async_copy(in_hbm.at[_TILES, pl.ds(0, _TAB)], tab_v, sem_t)
    cp_i = pltpu.async_copy(
        in_hbm.at[pl.ds(g * 8, 8), pl.ds(b * 128, 128)], ids_v, sem_i
    )
    cp_t.wait()
    cp_i.wait()

    def step(t, carry):
        s_hi = t // 8
        s16 = t % 8
        ids16 = ids_v[s_hi, pl.ds(s16 * _L, _L)]
        off = s_hi * 512 + s16 * _L
        for d in range(_DIM):
            col = plsc.load_gather(tab_v, [ids16 + _VOCAB * d])
            out_v[pl.ds(off + d * 128, _L)] = plsc.bitcast(col, jnp.float32)
        return carry

    lax.fori_loop(0, _STEPS, step, 0, unroll=4)
    pltpu.sync_copy(out_v, out_hbm.at[pl.ds(wid * _OPW, _OPW)])


def kernel(input_ids, embed_weight):
    ids = input_ids.reshape(_BATCH, _TILES, 128).transpose(1, 0, 2)
    ids = ids.reshape(_TILES, _BATCH * 128)
    tab = lax.bitcast_convert_type(embed_weight.T.reshape(-1), jnp.int32)
    tab_row = jnp.pad(tab, (0, _BATCH * 128 - _TAB)).reshape(1, _BATCH * 128)
    out = _embed_sc(jnp.concatenate([ids, tab_row], axis=0))
    out = out.reshape(_BATCH, _TILES, _DIM, 128).transpose(0, 1, 3, 2)
    return out.reshape(_BATCH, _SEQ, _DIM)

# --- scband reference (transcript-rebuilt; emitter-appended) ---
"""Pipeline reference for scband-causal-no-mlp-83176336654673 (READ-ONLY COPY).

The authoritative reference and input builder live on the scoring server;
editing this copy changes nothing except your own understanding.
"""

import jax, jax.numpy as jnp
import numpy as np

VOCAB = 8
EMBED_DIM = 4
BATCH = 4
SEQ = 8192

def setup_inputs(seed: int = 0) -> dict:
    key = jax.random.key(seed)
    k_ids, k_tab = jax.random.split(key)
    input_ids = jax.random.randint(k_ids, (BATCH, SEQ), 0, VOCAB, dtype=jnp.int32)
    embed_weight = jax.random.normal(k_tab, (VOCAB, EMBED_DIM), dtype=jnp.float32)
    return {"input_ids": input_ids, "embed_weight": embed_weight}

def reference(input_ids, embed_weight):
    # _CausalNoMLP.forward: return self.embed(input_ids)
    # blocks are identity, norm is identity, attention_mask unused.
    return jnp.take(embed_weight, input_ids, axis=0)

if __name__ == "__main__":
    import jax
    _d = setup_inputs()
    print(jax.jit(kernel)(*tuple(_d.values())))

</pallas_src>

<mosaic_0001>
#map = affine_map<(d0, d1) -> (0, 0)>
#map1 = affine_map<(d0, d1) -> (0)>
module attributes {stable_mosaic.version = 14 : i64} {
  func.func @_embed_sc(%arg0: i32, %arg1: i32, %arg2: memref<65x512xi32, #tpu.memory_space<hbm>>, %arg3: memref<131072xf32, #tpu.memory_space<hbm>>, %arg4: memref<8x128xi32, #tpu.memory_space<vmem>>, %arg5: memref<32xi32, #tpu.memory_space<vmem>>, %arg6: memref<4096xf32, #tpu.memory_space<vmem>>, %arg7: memref<!tpu.dma_semaphore, #tpu.memory_space<semaphore_mem>>, %arg8: memref<!tpu.dma_semaphore, #tpu.memory_space<semaphore_mem>>) attributes {dimension_semantics = [#tpu.dimension_semantics<core_parallel>, #tpu.dimension_semantics<subcore_parallel>], iteration_bounds = array<i64: 2, 16>, scalar_prefetch = 0 : i64, scratch_operands = 5 : i64, tpu.core_type = #tpu.core_type<sc_vector_subcore>, window_params = [{transform_indices = #map}, {transform_indices = #map1}]} {
    %mul3A = arith.constant 2 : i32
    %mul3A_0 = arith.muli %arg1, %mul3A : i32
    %add3A = arith.addi %mul3A_0, %arg0 : i32
    %jit3A = arith.constant 8 : i32
    %div3A = arith.divsi %add3A, %jit3A : i32
    %sign3A = arith.constant 0 : i32
    %sign3A_1 = arith.cmpi sgt, %add3A, %sign3A : i32
    %sign3A_2 = arith.extui %sign3A_1 : i1 to i32
    %sign3A_3 = arith.constant 0 : i32
    %sign3A_4 = arith.cmpi slt, %add3A, %sign3A_3 : i32
    %sign3A_5 = arith.extui %sign3A_4 : i1 to i32
    %sign3A_6 = arith.subi %sign3A_2, %sign3A_5 : i32
    %sign3A_7 = arith.constant 0 : i32
    %sign3A_8 = arith.cmpi sgt, %jit3A, %sign3A_7 : i32
    %sign3A_9 = arith.extui %sign3A_8 : i1 to i32
    %sign3A_10 = arith.constant 0 : i32
    %sign3A_11 = arith.cmpi slt, %jit3A, %sign3A_10 : i32
    %sign3A_12 = arith.extui %sign3A_11 : i1 to i32
    %sign3A_13 = arith.subi %sign3A_9, %sign3A_12 : i32
    %ne3A = arith.cmpi ne, %sign3A_6, %sign3A_13 : i32
    %rem3A = arith.remsi %add3A, %jit3A : i32
    %ne3A_14 = arith.constant 0 : i32
    %ne3A_15 = arith.cmpi ne, %rem3A, %ne3A_14 : i32
    %and3A = arith.andi %ne3A, %ne3A_15 : i1
    %sub3A = arith.constant 1 : i32
    %sub3A_16 = arith.subi %div3A, %sub3A : i32
    %select_n3A = arith.select %and3A, %sub3A_16, %div3A : i32
    %jit3A_17 = arith.constant 8 : i32
    %eq3A = arith.constant 0 : i32
    %eq3A_18 = arith.cmpi eq, %jit3A_17, %eq3A : i32
    %jit3A_19 = arith.constant 1 : i32
    %select_n3A_20 = arith.select %eq3A_18, %jit3A_19, %jit3A_17 : i32
    %rem3A_21 = arith.remsi %add3A, %select_n3A_20 : i32
    %ne3A_22 = arith.constant 0 : i32
    %ne3A_23 = arith.cmpi ne, %rem3A_21, %ne3A_22 : i32
    %lt3A = arith.constant 0 : i32
    %lt3A_24 = arith.cmpi slt, %rem3A_21, %lt3A : i32
    %lt3A_25 = arith.constant 0 : i32
    %lt3A_26 = arith.cmpi slt, %select_n3A_20, %lt3A_25 : i32
    %ne3A_27 = arith.xori %lt3A_24, %lt3A_26 : i1
    %and3A_28 = arith.andi %ne3A_27, %ne3A_23 : i1
    %add3A_29 = arith.addi %rem3A_21, %select_n3A_20 : i32
    %select_n3A_30 = arith.select %and3A_28, %add3A_29, %rem3A_21 : i32
    %dma_start3A = arith.constant 64 : i32
    %dma_start3A_31 = arith.constant 0 : i32
    %dma_start3A_32 = tpu.memref_slice %arg2[%dma_start3A, %dma_start3A_31] : memref<65x512xi32, #tpu.memory_space<hbm>> -> memref<1x32xi32, #tpu.memory_space<hbm>>
    %dma_start3A_33 = tpu.memref_squeeze %dma_start3A_32 : memref<1x32xi32, #tpu.memory_space<hbm>> -> memref<32xi32, #tpu.memory_space<hbm>>
    %dma_start3A_34 = arith.constant 0 : i32
    %dma_start3A_35 = tpu.memref_slice %arg2[%dma_start3A, %dma_start3A_34] : memref<65x512xi32, #tpu.memory_space<hbm>> -> memref<1x32xi32, #tpu.memory_space<hbm>>
    %dma_start3A_36 = tpu.memref_squeeze %dma_start3A_35 : memref<1x32xi32, #tpu.memory_space<hbm>> -> memref<32xi32, #tpu.memory_space<hbm>>
    tpu.enqueue_dma source(%dma_start3A_36 : memref<32xi32, #tpu.memory_space<hbm>>) target(%arg5 : memref<32xi32, #tpu.memory_space<vmem>>) target_semaphore(%arg7 : memref<!tpu.dma_semaphore, #tpu.memory_space<semaphore_mem>>)
    %mul3A_37 = arith.constant 8 : i32
    %mul3A_38 = arith.muli %select_n3A_30, %mul3A_37 : i32
    %mul3A_39 = arith.constant 128 : i32
    %mul3A_40 = arith.muli %select_n3A, %mul3A_39 : i32
    %dma_start3A_41 = tpu.memref_slice %arg2[%mul3A_38, %mul3A_40] : memref<65x512xi32, #tpu.memory_space<hbm>> -> memref<8x128xi32, #tpu.memory_space<hbm>>
    %dma_start3A_42 = tpu.memref_slice %arg2[%mul3A_38, %mul3A_40] : memref<65x512xi32, #tpu.memory_space<hbm>> -> memref<8x128xi32, #tpu.memory_space<hbm>>
    tpu.enqueue_dma source(%dma_start3A_42 : memref<8x128xi32, #tpu.memory_space<hbm>>) target(%arg4 : memref<8x128xi32, #tpu.memory_space<vmem>>) target_semaphore(%arg8 : memref<!tpu.dma_semaphore, #tpu.memory_space<semaphore_mem>>)
    %dma_wait3A = arith.constant 64 : i32
    %dma_wait3A_43 = arith.constant 0 : i32
    %dma_wait3A_44 = tpu.memref_slice %arg2[%dma_wait3A, %dma_wait3A_43] : memref<65x512xi32, #tpu.memory_space<hbm>> -> memref<1x32xi32, #tpu.memory_space<hbm>>
    %dma_wait3A_45 = tpu.memref_squeeze %dma_wait3A_44 : memref<1x32xi32, #tpu.memory_space<hbm>> -> memref<32xi32, #tpu.memory_space<hbm>>
    %dma_wait3A_46 = arith.constant 0 : i32
    %dma_wait3A_47 = tpu.memref_slice %arg2[%dma_wait3A, %dma_wait3A_46] : memref<65x512xi32, #tpu.memory_space<hbm>> -> memref<1x32xi32, #tpu.memory_space<hbm>>
    %dma_wait3A_48 = tpu.memref_squeeze %dma_wait3A_47 : memref<1x32xi32, #tpu.memory_space<hbm>> -> memref<32xi32, #tpu.memory_space<hbm>>
    tpu.wait_dma2 semaphore(%arg7 : memref<!tpu.dma_semaphore, #tpu.memory_space<semaphore_mem>>) src(%dma_wait3A_48 : memref<32xi32, #tpu.memory_space<hbm>>) dst(%arg5 : memref<32xi32, #tpu.memory_space<vmem>>)
    %dma_wait3A_49 = tpu.memref_slice %arg2[%mul3A_38, %mul3A_40] : memref<65x512xi32, #tpu.memory_space<hbm>> -> memref<8x128xi32, #tpu.memory_space<hbm>>
    %dma_wait3A_50 = tpu.memref_slice %arg2[%mul3A_38, %mul3A_40] : memref<65x512xi32, #tpu.memory_space<hbm>> -> memref<8x128xi32, #tpu.memory_space<hbm>>
    tpu.wait_dma2 semaphore(%arg8 : memref<!tpu.dma_semaphore, #tpu.memory_space<semaphore_mem>>) src(%dma_wait3A_50 : memref<8x128xi32, #tpu.memory_space<hbm>>) dst(%arg4 : memref<8x128xi32, #tpu.memory_space<vmem>>)
    %scan3A = arith.constant 0 : i32
    %scan3A_51 = arith.constant 0 : i32
    %scan3A_52 = arith.constant 64 : i32
    %scan3A_53 = arith.addi %scan3A_51, %scan3A_52 : i32
    %scan3A_54 = arith.constant 4 : i32
    scf.for %scan3A_58 = %scan3A_51 to %scan3A_53 step %scan3A_54  : i32 {
      %jit3A_59 = arith.constant 8 : i32
      %div3A_60 = arith.divsi %scan3A_58, %jit3A_59 : i32
      %sign3A_61 = arith.constant 0 : i32
      %sign3A_62 = arith.cmpi sgt, %scan3A_58, %sign3A_61 : i32
      %sign3A_63 = arith.extui %sign3A_62 : i1 to i32
      %sign3A_64 = arith.constant 0 : i32
      %sign3A_65 = arith.cmpi slt, %scan3A_58, %sign3A_64 : i32
      %sign3A_66 = arith.extui %sign3A_65 : i1 to i32
      %sign3A_67 = arith.subi %sign3A_63, %sign3A_66 : i32
      %sign3A_68 = arith.constant 0 : i32
      %sign3A_69 = arith.cmpi sgt, %jit3A_59, %sign3A_68 : i32
      %sign3A_70 = arith.extui %sign3A_69 : i1 to i32
      %sign3A_71 = arith.constant 0 : i32
      %sign3A_72 = arith.cmpi slt, %jit3A_59, %sign3A_71 : i32
      %sign3A_73 = arith.extui %sign3A_72 : i1 to i32
      %sign3A_74 = arith.subi %sign3A_70, %sign3A_73 : i32
      %ne3A_75 = arith.cmpi ne, %sign3A_67, %sign3A_74 : i32
      %rem3A_76 = arith.remsi %scan3A_58, %jit3A_59 : i32
      %ne3A_77 = arith.constant 0 : i32
      %ne3A_78 = arith.cmpi ne, %rem3A_76, %ne3A_77 : i32
      %and3A_79 = arith.andi %ne3A_75, %ne3A_78 : i1
      %sub3A_80 = arith.constant 1 : i32
      %sub3A_81 = arith.subi %div3A_60, %sub3A_80 : i32
      %select_n3A_82 = arith.select %and3A_79, %sub3A_81, %div3A_60 : i32
      %jit3A_83 = arith.constant 8 : i32
      %eq3A_84 = arith.constant 0 : i32
      %eq3A_85 = arith.cmpi eq, %jit3A_83, %eq3A_84 : i32
      %jit3A_86 = arith.constant 1 : i32
      %select_n3A_87 = arith.select %eq3A_85, %jit3A_86, %jit3A_83 : i32
      %rem3A_88 = arith.remsi %scan3A_58, %select_n3A_87 : i32
      %ne3A_89 = arith.constant 0 : i32
      %ne3A_90 = arith.cmpi ne, %rem3A_88, %ne3A_89 : i32
      %lt3A_91 = arith.constant 0 : i32
      %lt3A_92 = arith.cmpi slt, %rem3A_88, %lt3A_91 : i32
      %lt3A_93 = arith.constant 0 : i32
      %lt3A_94 = arith.cmpi slt, %select_n3A_87, %lt3A_93 : i32
      %ne3A_95 = arith.xori %lt3A_92, %lt3A_94 : i1
      %and3A_96 = arith.andi %ne3A_95, %ne3A_90 : i1
      %add3A_97 = arith.addi %rem3A_88, %select_n3A_87 : i32
      %select_n3A_98 = arith.select %and3A_96, %add3A_97, %rem3A_88 : i32
      %mul3A_99 = arith.constant 16 : i32
      %mul3A_100 = arith.muli %select_n3A_98, %mul3A_99 : i32
      %get3A = arith.index_cast %select_n3A_82 : i32 to index
      %get3A_101 = arith.index_cast %mul3A_100 : i32 to index
      %get3A_102 = tpu.vector_load %arg4[%get3A, %get3A_101] {strides = array<i32>} : memref<8x128xi32, #tpu.memory_space<vmem>>, vector<16xi32>,
      %mul3A_103 = arith.constant 512 : i32
      %mul3A_104 = arith.muli %select_n3A_82, %mul3A_103 : i32
      %mul3A_105 = arith.constant 16 : i32
      %mul3A_106 = arith.muli %select_n3A_98, %mul3A_105 : i32
      %add3A_107 = arith.addi %mul3A_104, %mul3A_106 : i32
      %add3A_108 = arith.constant 0 : i32
      %add3A_109 = vector.broadcast %add3A_108 : i32 to vector<16xi32>
      %add3A_110 = arith.addi %get3A_102, %add3A_109 : vector<16xi32>
      %gather3A = tpu.vector_load_idx %arg5[%add3A_110] : memref<32xi32, #tpu.memory_space<vmem>>[vector<16xi32>], vector<16xi32>,
      %bitcast3A = vector.bitcast %gather3A : vector<16xi32> to vector<16xf32>
      %add3A_111 = arith.constant 0 : i32
      %add3A_112 = arith.addi %add3A_107, %add3A_111 : i32
      %swap3A = arith.index_cast %add3A_112 : i32 to index
      %swap3A_113 = tpu.vector_load %arg6[%swap3A] {strides = array<i32>} : memref<4096xf32, #tpu.memory_space<vmem>>, vector<16xf32>,
      tpu.vector_store %arg6[%swap3A], %bitcast3A {strides = array<i32>} : memref<4096xf32, #tpu.memory_space<vmem>>, vector<16xf32>,
      %add3A_114 = arith.constant 8 : i32
      %add3A_115 = vector.broadcast %add3A_114 : i32 to vector<16xi32>
      %add3A_116 = arith.addi %get3A_102, %add3A_115 : vector<16xi32>
      %gather3A_117 = tpu.vector_load_idx %arg5[%add3A_116] : memref<32xi32, #tpu.memory_space<vmem>>[vector<16xi32>], vector<16xi32>,
      %bitcast3A_118 = vector.bitcast %gather3A_117 : vector<16xi32> to vector<16xf32>
      %add3A_119 = arith.constant 128 : i32
      %add3A_120 = arith.addi %add3A_107, %add3A_119 : i32
      %swap3A_121 = arith.index_cast %add3A_120 : i32 to index
      %swap3A_122 = tpu.vector_load %arg6[%swap3A_121] {strides = array<i32>} : memref<4096xf32, #tpu.memory_space<vmem>>, vector<16xf32>,
      tpu.vector_store %arg6[%swap3A_121], %bitcast3A_118 {strides = array<i32>} : memref<4096xf32, #tpu.memory_space<vmem>>, vector<16xf32>,
      %add3A_123 = arith.constant 16 : i32
      %add3A_124 = vector.broadcast %add3A_123 : i32 to vector<16xi32>
      %add3A_125 = arith.addi %get3A_102, %add3A_124 : vector<16xi32>
      %gather3A_126 = tpu.vector_load_idx %arg5[%add3A_125] : memref<32xi32, #tpu.memory_space<vmem>>[vector<16xi32>], vector<16xi32>,
      %bitcast3A_127 = vector.bitcast %gather3A_126 : vector<16xi32> to vector<16xf32>
      %add3A_128 = arith.constant 256 : i32
      %add3A_129 = arith.addi %add3A_107, %add3A_128 : i32
      %swap3A_130 = arith.index_cast %add3A_129 : i32 to index
      %swap3A_131 = tpu.vector_load %arg6[%swap3A_130] {strides = array<i32>} : memref<4096xf32, #tpu.memory_space<vmem>>, vector<16xf32>,
      tpu.vector_store %arg6[%swap3A_130], %bitcast3A_127 {strides = array<i32>} : memref<4096xf32, #tpu.memory_space<vmem>>, vector<16xf32>,
      %add3A_132 = arith.constant 24 : i32
      %add3A_133 = vector.broadcast %add3A_132 : i32 to vector<16xi32>
      %add3A_134 = arith.addi %get3A_102, %add3A_133 : vector<16xi32>
      %gather3A_135 = tpu.vector_load_idx %arg5[%add3A_134] : memref<32xi32, #tpu.memory_space<vmem>>[vector<16xi32>], vector<16xi32>,
      %bitcast3A_136 = vector.bitcast %gather3A_135 : vector<16xi32> to vector<16xf32>
      %add3A_137 = arith.constant 384 : i32
      %add3A_138 = arith.addi %add3A_107, %add3A_137 : i32
      %swap3A_139 = arith.index_cast %add3A_138 : i32 to index
      %swap3A_140 = tpu.vector_load %arg6[%swap3A_139] {strides = array<i32>} : memref<4096xf32, #tpu.memory_space<vmem>>, vector<16xf32>,
      tpu.vector_store %arg6[%swap3A_139], %bitcast3A_136 {strides = array<i32>} : memref<4096xf32, #tpu.memory_space<vmem>>, vector<16xf32>,
      %scan3A_141 = arith.constant 1 : i32
      %scan3A_142 = arith.addi %scan3A_58, %scan3A_141 : i32
      %jit3A_143 = arith.constant 8 : i32
      %div3A_144 = arith.divsi %scan3A_142, %jit3A_143 : i32
      %sign3A_145 = arith.constant 0 : i32
      %sign3A_146 = arith.cmpi sgt, %scan3A_142, %sign3A_145 : i32
      %sign3A_147 = arith.extui %sign3A_146 : i1 to i32
      %sign3A_148 = arith.constant 0 : i32
      %sign3A_149 = arith.cmpi slt, %scan3A_142, %sign3A_148 : i32
      %sign3A_150 = arith.extui %sign3A_149 : i1 to i32
      %sign3A_151 = arith.subi %sign3A_147, %sign3A_150 : i32
      %sign3A_152 = arith.constant 0 : i32
      %sign3A_153 = arith.cmpi sgt, %jit3A_143, %sign3A_152 : i32
      %sign3A_154 = arith.extui %sign3A_153 : i1 to i32
      %sign3A_155 = arith.constant 0 : i32
      %sign3A_156 = arith.cmpi slt, %jit3A_143, %sign3A_155 : i32
      %sign3A_157 = arith.extui %sign3A_156 : i1 to i32
      %sign3A_158 = arith.subi %sign3A_154, %sign3A_157 : i32
      %ne3A_159 = arith.cmpi ne, %sign3A_151, %sign3A_158 : i32
      %rem3A_160 = arith.remsi %scan3A_142, %jit3A_143 : i32
      %ne3A_161 = arith.constant 0 : i32
      %ne3A_162 = arith.cmpi ne, %rem3A_160, %ne3A_161 : i32
      %and3A_163 = arith.andi %ne3A_159, %ne3A_162 : i1
      %sub3A_164 = arith.constant 1 : i32
      %sub3A_165 = arith.subi %div3A_144, %sub3A_164 : i32
      %select_n3A_166 = arith.select %and3A_163, %sub3A_165, %div3A_144 : i32
      %jit3A_167 = arith.constant 8 : i32
      %eq3A_168 = arith.constant 0 : i32
      %eq3A_169 = arith.cmpi eq, %jit3A_167, %eq3A_168 : i32
      %jit3A_170 = arith.constant 1 : i32
      %select_n3A_171 = arith.select %eq3A_169, %jit3A_170, %jit3A_167 : i32
      %rem3A_172 = arith.remsi %scan3A_142, %select_n3A_171 : i32
      %ne3A_173 = arith.constant 0 : i32
      %ne3A_174 = arith.cmpi ne, %rem3A_172, %ne3A_173 : i32
      %lt3A_175 = arith.constant 0 : i32
      %lt3A_176 = arith.cmpi slt, %rem3A_172, %lt3A_175 : i32
      %lt3A_177 = arith.constant 0 : i32
      %lt3A_178 = arith.cmpi slt, %select_n3A_171, %lt3A_177 : i32
      %ne3A_179 = arith.xori %lt3A_176, %lt3A_178 : i1
      %and3A_180 = arith.andi %ne3A_179, %ne3A_174 : i1
      %add3A_181 = arith.addi %rem3A_172, %select_n3A_171 : i32
      %select_n3A_182 = arith.select %and3A_180, %add3A_181, %rem3A_172 : i32
      %mul3A_183 = arith.constant 16 : i32
      %mul3A_184 = arith.muli %select_n3A_182, %mul3A_183 : i32
      %get3A_185 = arith.index_cast %select_n3A_166 : i32 to index
      %get3A_186 = arith.index_cast %mul3A_184 : i32 to index
      %get3A_187 = tpu.vector_load %arg4[%get3A_185, %get3A_186] {strides = array<i32>} : memref<8x128xi32, #tpu.memory_space<vmem>>, vector<16xi32>,
      %mul3A_188 = arith.constant 512 : i32
      %mul3A_189 = arith.muli %select_n3A_166, %mul3A_188 : i32
      %mul3A_190 = arith.constant 16 : i32
      %mul3A_191 = arith.muli %select_n3A_182, %mul3A_190 : i32
      %add3A_192 = arith.addi %mul3A_189, %mul3A_191 : i32
      %add3A_193 = arith.constant 0 : i32
      %add3A_194 = vector.broadcast %add3A_193 : i32 to vector<16xi32>
      %add3A_195 = arith.addi %get3A_187, %add3A_194 : vector<16xi32>
      %gather3A_196 = tpu.vector_load_idx %arg5[%add3A_195] : memref<32xi32, #tpu.memory_space<vmem>>[vector<16xi32>], vector<16xi32>,
      %bitcast3A_197 = vector.bitcast %gather3A_196 : vector<16xi32> to vector<16xf32>
      %add3A_198 = arith.constant 0 : i32
      %add3A_199 = arith.addi %add3A_192, %add3A_198 : i32
      %swap3A_200 = arith.index_cast %add3A_199 : i32 to index
      %swap3A_201 = tpu.vector_load %arg6[%swap3A_200] {strides = array<i32>} : memref<4096xf32, #tpu.memory_space<vmem>>, vector<16xf32>,
      tpu.vector_store %arg6[%swap3A_200], %bitcast3A_197 {strides = array<i32>} : memref<4096xf32, #tpu.memory_space<vmem>>, vector<16xf32>,
      %add3A_202 = arith.constant 8 : i32
      %add3A_203 = vector.broadcast %add3A_202 : i32 to vector<16xi32>
      %add3A_204 = arith.addi %get3A_187, %add3A_203 : vector<16xi32>
      %gather3A_205 = tpu.vector_load_idx %arg5[%add3A_204] : memref<32xi32, #tpu.memory_space<vmem>>[vector<16xi32>], vector<16xi32>,
      %bitcast3A_206 = vector.bitcast %gather3A_205 : vector<16xi32> to vector<16xf32>
      %add3A_207 = arith.constant 128 : i32
      %add3A_208 = arith.addi %add3A_192, %add3A_207 : i32
      %swap3A_209 = arith.index_cast %add3A_208 : i32 to index
      %swap3A_210 = tpu.vector_load %arg6[%swap3A_209] {strides = array<i32>} : memref<4096xf32, #tpu.memory_space<vmem>>, vector<16xf32>,
      tpu.vector_store %arg6[%swap3A_209], %bitcast3A_206 {strides = array<i32>} : memref<4096xf32, #tpu.memory_space<vmem>>, vector<16xf32>,
      %add3A_211 = arith.constant 16 : i32
      %add3A_212 = vector.broadcast %add3A_211 : i32 to vector<16xi32>
      %add3A_213 = arith.addi %get3A_187, %add3A_212 : vector<16xi32>
      %gather3A_214 = tpu.vector_load_idx %arg5[%add3A_213] : memref<32xi32, #tpu.memory_space<vmem>>[vector<16xi32>], vector<16xi32>,
      %bitcast3A_215 = vector.bitcast %gather3A_214 : vector<16xi32> to vector<16xf32>
      %add3A_216 = arith.constant 256 : i32
      %add3A_217 = arith.addi %add3A_192, %add3A_216 : i32
      %swap3A_218 = arith.index_cast %add3A_217 : i32 to index
      %swap3A_219 = tpu.vector_load %arg6[%swap3A_218] {strides = array<i32>} : memref<4096xf32, #tpu.memory_space<vmem>>, vector<16xf32>,
      tpu.vector_store %arg6[%swap3A_218], %bitcast3A_215 {strides = array<i32>} : memref<4096xf32, #tpu.memory_space<vmem>>, vector<16xf32>,
      %add3A_220 = arith.constant 24 : i32
      %add3A_221 = vector.broadcast %add3A_220 : i32 to vector<16xi32>
      %add3A_222 = arith.addi %get3A_187, %add3A_221 : vector<16xi32>
      %gather3A_223 = tpu.vector_load_idx %arg5[%add3A_222] : memref<32xi32, #tpu.memory_space<vmem>>[vector<16xi32>], vector<16xi32>,
      %bitcast3A_224 = vector.bitcast %gather3A_223 : vector<16xi32> to vector<16xf32>
      %add3A_225 = arith.constant 384 : i32
      %add3A_226 = arith.addi %add3A_192, %add3A_225 : i32
      %swap3A_227 = arith.index_cast %add3A_226 : i32 to index
      %swap3A_228 = tpu.vector_load %arg6[%swap3A_227] {strides = array<i32>} : memref<4096xf32, #tpu.memory_space<vmem>>, vector<16xf32>,
      tpu.vector_store %arg6[%swap3A_227], %bitcast3A_224 {strides = array<i32>} : memref<4096xf32, #tpu.memory_space<vmem>>, vector<16xf32>,
      %scan3A_229 = arith.constant 2 : i32
      %scan3A_230 = arith.addi %scan3A_58, %scan3A_229 : i32
      %jit3A_231 = arith.constant 8 : i32
      %div3A_232 = arith.divsi %scan3A_230, %jit3A_231 : i32
      %sign3A_233 = arith.constant 0 : i32
      %sign3A_234 = arith.cmpi sgt, %scan3A_230, %sign3A_233 : i32
      %sign3A_235 = arith.extui %sign3A_234 : i1 to i32
      %sign3A_236 = arith.constant 0 : i32
      %sign3A_237 = arith.cmpi slt, %scan3A_230, %sign3A_236 : i32
      %sign3A_238 = arith.extui %sign3A_237 : i1 to i32
      %sign3A_239 = arith.subi %sign3A_235, %sign3A_238 : i32
      %sign3A_240 = arith.constant 0 : i32
      %sign3A_241 = arith.cmpi sgt, %jit3A_231, %sign3A_240 : i32
      %sign3A_242 = arith.extui %sign3A_241 : i1 to i32
      %sign3A_243 = arith.constant 0 : i32
      %sign3A_244 = arith.cmpi slt, %jit3A_231, %sign3A_243 : i32
      %sign3A_245 = arith.extui %sign3A_244 : i1 to i32
      %sign3A_246 = arith.subi %sign3A_242, %sign3A_245 : i32
      %ne3A_247 = arith.cmpi ne, %sign3A_239, %sign3A_246 : i32
      %rem3A_248 = arith.remsi %scan3A_230, %jit3A_231 : i32
      %ne3A_249 = arith.constant 0 : i32
      %ne3A_250 = arith.cmpi ne, %rem3A_248, %ne3A_249 : i32
      %and3A_251 = arith.andi %ne3A_247, %ne3A_250 : i1
      %sub3A_252 = arith.constant 1 : i32
      %sub3A_253 = arith.subi %div3A_232, %sub3A_252 : i32
      %select_n3A_254 = arith.select %and3A_251, %sub3A_253, %div3A_232 : i32
      %jit3A_255 = arith.constant 8 : i32
      %eq3A_256 = arith.constant 0 : i32
      %eq3A_257 = arith.cmpi eq, %jit3A_255, %eq3A_256 : i32
      %jit3A_258 = arith.constant 1 : i32
      %select_n3A_259 = arith.select %eq3A_257, %jit3A_258, %jit3A_255 : i32
      %rem3A_260 = arith.remsi %scan3A_230, %select_n3A_259 : i32
      %ne3A_261 = arith.constant 0 : i32
      %ne3A_262 = arith.cmpi ne, %rem3A_260, %ne3A_261 : i32
      %lt3A_263 = arith.constant 0 : i32
      %lt3A_264 = arith.cmpi slt, %rem3A_260, %lt3A_263 : i32
      %lt3A_265 = arith.constant 0 : i32
      %lt3A_266 = arith.cmpi slt, %select_n3A_259, %lt3A_265 : i32
      %ne3A_267 = arith.xori %lt3A_264, %lt3A_266 : i1
      %and3A_268 = arith.andi %ne3A_267, %ne3A_262 : i1
      %add3A_269 = arith.addi %rem3A_260, %select_n3A_259 : i32
      %select_n3A_270 = arith.select %and3A_268, %add3A_269, %rem3A_260 : i32
      %mul3A_271 = arith.constant 16 : i32
      %mul3A_272 = arith.muli %select_n3A_270, %mul3A_271 : i32
      %get3A_273 = arith.index_cast %select_n3A_254 : i32 to index
      %get3A_274 = arith.index_cast %mul3A_272 : i32 to index
      %get3A_275 = tpu.vector_load %arg4[%get3A_273, %get3A_274] {strides = array<i32>} : memref<8x128xi32, #tpu.memory_space<vmem>>, vector<16xi32>,
      %mul3A_276 = arith.constant 512 : i32
      %mul3A_277 = arith.muli %select_n3A_254, %mul3A_276 : i32
      %mul3A_278 = arith.constant 16 : i32
      %mul3A_279 = arith.muli %select_n3A_270, %mul3A_278 : i32
      %add3A_280 = arith.addi %mul3A_277, %mul3A_279 : i32
      %add3A_281 = arith.constant 0 : i32
      %add3A_282 = vector.broadcast %add3A_281 : i32 to vector<16xi32>
      %add3A_283 = arith.addi %get3A_275, %add3A_282 : vector<16xi32>
      %gather3A_284 = tpu.vector_load_idx %arg5[%add3A_283] : memref<32xi32, #tpu.memory_space<vmem>>[vector<16xi32>], vector<16xi32>,
      %bitcast3A_285 = vector.bitcast %gather3A_284 : vector<16xi32> to vector<16xf32>
      %add3A_286 = arith.constant 0 : i32
      %add3A_287 = arith.addi %add3A_280, %add3A_286 : i32
      %swap3A_288 = arith.index_cast %add3A_287 : i32 to index
      %swap3A_289 = tpu.vector_load %arg6[%swap3A_288] {strides = array<i32>} : memref<4096xf32, #tpu.memory_space<vmem>>, vector<16xf32>,
      tpu.vector_store %arg6[%swap3A_288], %bitcast3A_285 {strides = array<i32>} : memref<4096xf32, #tpu.memory_space<vmem>>, vector<16xf32>,
      %add3A_290 = arith.constant 8 : i32
      %add3A_291 = vector.broadcast %add3A_290 : i32 to vector<16xi32>
      %add3A_292 = arith.addi %get3A_275, %add3A_291 : vector<16xi32>
      %gather3A_293 = tpu.vector_load_idx %arg5[%add3A_292] : memref<32xi32, #tpu.memory_space<vmem>>[vector<16xi32>], vector<16xi32>,
      %bitcast3A_294 = vector.bitcast %gather3A_293 : vector<16xi32> to vector<16xf32>
      %add3A_295 = arith.constant 128 : i32
      %add3A_296 = arith.addi %add3A_280, %add3A_295 : i32
      %swap3A_297 = arith.index_cast %add3A_296 : i32 to index
      %swap3A_298 = tpu.vector_load %arg6[%swap3A_297] {strides = array<i32>} : memref<4096xf32, #tpu.memory_space<vmem>>, vector<16xf32>,
      tpu.vector_store %arg6[%swap3A_297], %bitcast3A_294 {strides = array<i32>} : memref<4096xf32, #tpu.memory_space<vmem>>, vector<16xf32>,
      %add3A_299 = arith.constant 16 : i32
      %add3A_300 = vector.broadcast %add3A_299 : i32 to vector<16xi32>
      %add3A_301 = arith.addi %get3A_275, %add3A_300 : vector<16xi32>
      %gather3A_302 = tpu.vector_load_idx %arg5[%add3A_301] : memref<32xi32, #tpu.memory_space<vmem>>[vector<16xi32>], vector<16xi32>,
      %bitcast3A_303 = vector.bitcast %gather3A_302 : vector<16xi32> to vector<16xf32>
      %add3A_304 = arith.constant 256 : i32
      %add3A_305 = arith.addi %add3A_280, %add3A_304 : i32
      %swap3A_306 = arith.index_cast %add3A_305 : i32 to index
      %swap3A_307 = tpu.vector_load %arg6[%swap3A_306] {strides = array<i32>} : memref<4096xf32, #tpu.memory_space<vmem>>, vector<16xf32>,
      tpu.vector_store %arg6[%swap3A_306], %bitcast3A_303 {strides = array<i32>} : memref<4096xf32, #tpu.memory_space<vmem>>, vector<16xf32>,
      %add3A_308 = arith.constant 24 : i32
      %add3A_309 = vector.broadcast %add3A_308 : i32 to vector<16xi32>
      %add3A_310 = arith.addi %get3A_275, %add3A_309 : vector<16xi32>
      %gather3A_311 = tpu.vector_load_idx %arg5[%add3A_310] : memref<32xi32, #tpu.memory_space<vmem>>[vector<16xi32>], vector<16xi32>,
      %bitcast3A_312 = vector.bitcast %gather3A_311 : vector<16xi32> to vector<16xf32>
      %add3A_313 = arith.constant 384 : i32
      %add3A_314 = arith.addi %add3A_280, %add3A_313 : i32
      %swap3A_315 = arith.index_cast %add3A_314 : i32 to index
      %swap3A_316 = tpu.vector_load %arg6[%swap3A_315] {strides = array<i32>} : memref<4096xf32, #tpu.memory_space<vmem>>, vector<16xf32>,
      tpu.vector_store %arg6[%swap3A_315], %bitcast3A_312 {strides = array<i32>} : memref<4096xf32, #tpu.memory_space<vmem>>, vector<16xf32>,
      %scan3A_317 = arith.constant 3 : i32
      %scan3A_318 = arith.addi %scan3A_58, %scan3A_317 : i32
      %jit3A_319 = arith.constant 8 : i32
      %div3A_320 = arith.divsi %scan3A_318, %jit3A_319 : i32
      %sign3A_321 = arith.constant 0 : i32
      %sign3A_322 = arith.cmpi sgt, %scan3A_318, %sign3A_321 : i32
      %sign3A_323 = arith.extui %sign3A_322 : i1 to i32
      %sign3A_324 = arith.constant 0 : i32
      %sign3A_325 = arith.cmpi slt, %scan3A_318, %sign3A_324 : i32
      %sign3A_326 = arith.extui %sign3A_325 : i1 to i32
      %sign3A_327 = arith.subi %sign3A_323, %sign3A_326 : i32
      %sign3A_328 = arith.constant 0 : i32
      %sign3A_329 = arith.cmpi sgt, %jit3A_319, %sign3A_328 : i32
      %sign3A_330 = arith.extui %sign3A_329 : i1 to i32
      %sign3A_331 = arith.constant 0 : i32
      %sign3A_332 = arith.cmpi slt, %jit3A_319, %sign3A_331 : i32
      %sign3A_333 = arith.extui %sign3A_332 : i1 to i32
      %sign3A_334 = arith.subi %sign3A_330, %sign3A_333 : i32
      %ne3A_335 = arith.cmpi ne, %sign3A_327, %sign3A_334 : i32
      %rem3A_336 = arith.remsi %scan3A_318, %jit3A_319 : i32
      %ne3A_337 = arith.constant 0 : i32
      %ne3A_338 = arith.cmpi ne, %rem3A_336, %ne3A_337 : i32
      %and3A_339 = arith.andi %ne3A_335, %ne3A_338 : i1
      %sub3A_340 = arith.constant 1 : i32
      %sub3A_341 = arith.subi %div3A_320, %sub3A_340 : i32
      %select_n3A_342 = arith.select %and3A_339, %sub3A_341, %div3A_320 : i32
      %jit3A_343 = arith.constant 8 : i32
      %eq3A_344 = arith.constant 0 : i32
      %eq3A_345 = arith.cmpi eq, %jit3A_343, %eq3A_344 : i32
      %jit3A_346 = arith.constant 1 : i32
      %select_n3A_347 = arith.select %eq3A_345, %jit3A_346, %jit3A_343 : i32
      %rem3A_348 = arith.remsi %scan3A_318, %select_n3A_347 : i32
      %ne3A_349 = arith.constant 0 : i32
      %ne3A_350 = arith.cmpi ne, %rem3A_348, %ne3A_349 : i32
      %lt3A_351 = arith.constant 0 : i32
      %lt3A_352 = arith.cmpi slt, %rem3A_348, %lt3A_351 : i32
      %lt3A_353 = arith.constant 0 : i32
      %lt3A_354 = arith.cmpi slt, %select_n3A_347, %lt3A_353 : i32
      %ne3A_355 = arith.xori %lt3A_352, %lt3A_354 : i1
      %and3A_356 = arith.andi %ne3A_355, %ne3A_350 : i1
      %add3A_357 = arith.addi %rem3A_348, %select_n3A_347 : i32
      %select_n3A_358 = arith.select %and3A_356, %add3A_357, %rem3A_348 : i32
      %mul3A_359 = arith.constant 16 : i32
      %mul3A_360 = arith.muli %select_n3A_358, %mul3A_359 : i32
      %get3A_361 = arith.index_cast %select_n3A_342 : i32 to index
      %get3A_362 = arith.index_cast %mul3A_360 : i32 to index
      %get3A_363 = tpu.vector_load %arg4[%get3A_361, %get3A_362] {strides = array<i32>} : memref<8x128xi32, #tpu.memory_space<vmem>>, vector<16xi32>,
      %mul3A_364 = arith.constant 512 : i32
      %mul3A_365 = arith.muli %select_n3A_342, %mul3A_364 : i32
      %mul3A_366 = arith.constant 16 : i32
      %mul3A_367 = arith.muli %select_n3A_358, %mul3A_366 : i32
      %add3A_368 = arith.addi %mul3A_365, %mul3A_367 : i32
      %add3A_369 = arith.constant 0 : i32
      %add3A_370 = vector.broadcast %add3A_369 : i32 to vector<16xi32>
      %add3A_371 = arith.addi %get3A_363, %add3A_370 : vector<16xi32>
      %gather3A_372 = tpu.vector_load_idx %arg5[%add3A_371] : memref<32xi32, #tpu.memory_space<vmem>>[vector<16xi32>], vector<16xi32>,
      %bitcast3A_373 = vector.bitcast %gather3A_372 : vector<16xi32> to vector<16xf32>
      %add3A_374 = arith.constant 0 : i32
      %add3A_375 = arith.addi %add3A_368, %add3A_374 : i32
      %swap3A_376 = arith.index_cast %add3A_375 : i32 to index
      %swap3A_377 = tpu.vector_load %arg6[%swap3A_376] {strides = array<i32>} : memref<4096xf32, #tpu.memory_space<vmem>>, vector<16xf32>,
      tpu.vector_store %arg6[%swap3A_376], %bitcast3A_373 {strides = array<i32>} : memref<4096xf32, #tpu.memory_space<vmem>>, vector<16xf32>,
      %add3A_378 = arith.constant 8 : i32
      %add3A_379 = vector.broadcast %add3A_378 : i32 to vector<16xi32>
      %add3A_380 = arith.addi %get3A_363, %add3A_379 : vector<16xi32>
      %gather3A_381 = tpu.vector_load_idx %arg5[%add3A_380] : memref<32xi32, #tpu.memory_space<vmem>>[vector<16xi32>], vector<16xi32>,
      %bitcast3A_382 = vector.bitcast %gather3A_381 : vector<16xi32> to vector<16xf32>
      %add3A_383 = arith.constant 128 : i32
      %add3A_384 = arith.addi %add3A_368, %add3A_383 : i32
      %swap3A_385 = arith.index_cast %add3A_384 : i32 to index
      %swap3A_386 = tpu.vector_load %arg6[%swap3A_385] {strides = array<i32>} : memref<4096xf32, #tpu.memory_space<vmem>>, vector<16xf32>,
      tpu.vector_store %arg6[%swap3A_385], %bitcast3A_382 {strides = array<i32>} : memref<4096xf32, #tpu.memory_space<vmem>>, vector<16xf32>,
      %add3A_387 = arith.constant 16 : i32
      %add3A_388 = vector.broadcast %add3A_387 : i32 to vector<16xi32>
      %add3A_389 = arith.addi %get3A_363, %add3A_388 : vector<16xi32>
      %gather3A_390 = tpu.vector_load_idx %arg5[%add3A_389] : memref<32xi32, #tpu.memory_space<vmem>>[vector<16xi32>], vector<16xi32>,
      %bitcast3A_391 = vector.bitcast %gather3A_390 : vector<16xi32> to vector<16xf32>
      %add3A_392 = arith.constant 256 : i32
      %add3A_393 = arith.addi %add3A_368, %add3A_392 : i32
      %swap3A_394 = arith.index_cast %add3A_393 : i32 to index
      %swap3A_395 = tpu.vector_load %arg6[%swap3A_394] {strides = array<i32>} : memref<4096xf32, #tpu.memory_space<vmem>>, vector<16xf32>,
      tpu.vector_store %arg6[%swap3A_394], %bitcast3A_391 {strides = array<i32>} : memref<4096xf32, #tpu.memory_space<vmem>>, vector<16xf32>,
      %add3A_396 = arith.constant 24 : i32
      %add3A_397 = vector.broadcast %add3A_396 : i32 to vector<16xi32>
      %add3A_398 = arith.addi %get3A_363, %add3A_397 : vector<16xi32>
      %gather3A_399 = tpu.vector_load_idx %arg5[%add3A_398] : memref<32xi32, #tpu.memory_space<vmem>>[vector<16xi32>], vector<16xi32>,
      %bitcast3A_400 = vector.bitcast %gather3A_399 : vector<16xi32> to vector<16xf32>
      %add3A_401 = arith.constant 384 : i32
      %add3A_402 = arith.addi %add3A_368, %add3A_401 : i32
      %swap3A_403 = arith.index_cast %add3A_402 : i32 to index
      %swap3A_404 = tpu.vector_load %arg6[%swap3A_403] {strides = array<i32>} : memref<4096xf32, #tpu.memory_space<vmem>>, vector<16xf32>,
      tpu.vector_store %arg6[%swap3A_403], %bitcast3A_400 {strides = array<i32>} : memref<4096xf32, #tpu.memory_space<vmem>>, vector<16xf32>,
    }
    %scan3A_55 = arith.constant 64 : i32
    %mul3A_56 = arith.constant 4096 : i32
    %mul3A_57 = arith.muli %add3A, %mul3A_56 : i32
    "tpu.region"() ({
      %run_scoped3A = tpu.sem_alloc : memref<!tpu.dma_semaphore, #tpu.memory_space<semaphore_mem>>
      %dma_start3A_58 = tpu.memref_slice %arg3[%mul3A_57] : memref<131072xf32, #tpu.memory_space<hbm>> -> memref<4096xf32, #tpu.memory_space<hbm>>
      %dma_start3A_59 = tpu.memref_slice %arg3[%mul3A_57] : memref<131072xf32, #tpu.memory_space<hbm>> -> memref<4096xf32, #tpu.memory_space<hbm>>
      tpu.enqueue_dma source(%arg6 : memref<4096xf32, #tpu.memory_space<vmem>>) target(%dma_start3A_59 : memref<4096xf32, #tpu.memory_space<hbm>>) target_semaphore(%run_scoped3A : memref<!tpu.dma_semaphore, #tpu.memory_space<semaphore_mem>>)
      %dma_wait3A_60 = tpu.memref_slice %arg3[%mul3A_57] : memref<131072xf32, #tpu.memory_space<hbm>> -> memref<4096xf32, #tpu.memory_space<hbm>>
      %dma_wait3A_61 = tpu.memref_slice %arg3[%mul3A_57] : memref<131072xf32, #tpu.memory_space<hbm>> -> memref<4096xf32, #tpu.memory_space<hbm>>
      tpu.wait_dma2 semaphore(%run_scoped3A : memref<!tpu.dma_semaphore, #tpu.memory_space<semaphore_mem>>) src(%arg6 : memref<4096xf32, #tpu.memory_space<vmem>>) dst(%dma_wait3A_61 : memref<4096xf32, #tpu.memory_space<hbm>>)
      tpu.yield
    }) : () -> ()
    return
  }
}

</mosaic_0001>

<sc_bundles>
// kernel: kernel.3.cloned.1.call-start
scs
__scs_entry_jumppad:
0x0: {  	(pc) =	sbr.rel $0x88, $3  }
0x1: {  	(tag) =	ssettag $0x0;
	lr =	simm.s32 $0x1  }
0x2: {  	[smem:$0x3F9F] =	sst lr;
	_ =	strace $0xD0000000  }
0x3: {  	_ = 	snop  }
0x4: {  	_ = 	snop  }
0x5: {  	_ = 	snop  }
0x6: {  	_ = 	snop  }
0x7: {  	_ = 	snop  }
__scs_overlays_trampoline_lowered:
0x8: {  	[smem:$0x3FAE] =	sst s0  }
0x9: {  	[smem:$0x3FAF] =	sst s1  }
0xa: {  	[smem:$0x3FB0] =	sst s2  }
0xb: {  	[smem:$0x3FB1] =	sst s3  }
0xc: {  	[smem:$0x3FB2] =	sst s4  }
0xd: {  	[smem:$0x3FB3] =	sst s5  }
0xe: {  	[smem:$0x3FB4] =	sst s6  }
0xf: {  	[smem:$0x3FB5] =	sst s7  }
0x10: {  	[smem:$0x3FB6] =	sst s8  }
0x11: {  	[smem:$0x3FB7] =	sst s9;
	s0 =	simm.s32 @!p0 $0x0  }
0x12: {  	s1 =	sld [smem:$0x3F9D];
	s0 =	simm.s32 @p0 $0x1  }
0x13: {  	[smem:$0x3FB8] =	sst s0;
	s0 =	simm.s32 @!p1 $0x0  }
0x14: {  	s2 =	sld [smem:$0x3F9C];
	s0 =	simm.s32 @p1 $0x1  }
0x15: {  	[smem:$0x3FB9] =	sst s0;
	s0 =	simm.s32 @!p2 $0x0  }
0x16: {  	s3 =	sld [smem:$0x3FDB];
	s0 =	simm.s32 @p2 $0x1  }
0x17: {  	s4 =	simm.s32 $0x1BF5;
	[smem:$0x3FBB] =	sst s0  }
0x18: {  	s0 =	sld [smem:$0x3F9E];
	_ =	swait.ge [sflag:s4], $0x0  }
0x19: {  	s7 =	sld [smem:$0x3F9F]  }
0x1a: {  	s8 =	sadd.s32 $0xFFFFE003, lr  }
0x1b: {  	s9 =	sadd.s32 $0xFFFFFEF7, lr;
	s5 =	simm.s32 $0xFFFFFFFF;
	p2 =	slt.u32 s8, $0xFFFFF086  }
0x1c: {  	p1 =	slt.u32 s9, $0xF7A;
	s5 =	simm.s32 @!p2 $0x0  }
0x1d: {  	s5 =	simm.s32 @p1 $0x1;
	p0 =	seq.s32 s7, s2  }
0x1e: {  	s7 =	smul.u32 @!p0 $0xF7A, s2;
	p2 =	seq.s32 @!p0 s5, $0x0  }
0x1f: {  	s9 =	smul.u32 $0xF7A, s1;
	s8 =	simm.s32 @!p0 $0x1BF5;
	p2 =	por !p2, p0  }
0x20: {  	[sflag:s8] =	ssyncset.s32 @!p0 $0xFFFFF086;
	s6 =	sadd.s32 @!p0 s3, s7;
	s7 =	simm.s32 @!p0 $0x108  }
0x21: {  	s3 =	sadd.s32 s3, s9;
	s6 =	sadd.s32 @!p0 $0x88, s6;
	s7 =	simm.s32 @p2 $0x1082  }
0x22: {  	[simem:s7], [sflag:s8] =	dma.local @!p0 [hbm:s6], $0xF7A  }
0x23: {  	s9 =	sor.u32 $0xD0000000, s2;
	s6 =	simm.s32 $0x108;
	_ =	swait.ge @!p0 [sflag:s8], $0x0  }
0x24: {  	s3 =	sadd.s32 $0x88, s3;
	s6 =	simm.s32 @!p1 $0x1082;
	[sflag:s4] =	ssyncset.s32 $0xFFFFF086  }
0x25: {  	[simem:s6], [sflag:s4] =	dma.local [hbm:s3], $0xF7A  }
0x26: {  	[smem:$0x3F9F] =	sst s1;
	(tag) =	ssettag s2;
	_ =	strace s9  }
0x27: {  	s1 =	sld [smem:$0x3FAF]  }
0x28: {  	s2 =	sld [smem:$0x3FB0]  }
0x29: {  	s4 =	sld [smem:$0x3FB2]  }
0x2a: {  	p0 =	seq.s32 s5, $0x0;
	s5 =	sld [smem:$0x3FB3]  }
0x2b: {  	s6 =	sld [smem:$0x3FB4]  }
0x2c: {  	s7 =	sld [smem:$0x3FB5]  }
0x2d: {  	s3 =	simm.s32 $0x108;
	s8 =	sld [smem:$0x3FB6]  }
0x2e: {  	s3 =	simm.s32 @!p0 $0x1082;
	s9 =	sld [smem:$0x3FB7]  }
0x2f: {  	lr =	sadd.s32 s0, s3;
	s0 =	sld [smem:$0x3FAE]  }
0x30: {  	s3 =	sld [smem:$0x3FB1]  }
0x31: {  	[smem:$0x3FBA] =	sst s10  }
0x32: {  	s10 =	sld [smem:$0x3FB8];
	_ =	sdelay $0x3  }
0x33: {  	p0 =	seq.s32 s10, $0x1;
	s10 =	sld [smem:$0x3FBA];
	_ =	sdelay $0x3  }
0x34: {  	[smem:$0x3FBA] =	sst s10  }
0x35: {  	s10 =	sld [smem:$0x3FB9];
	_ =	sdelay $0x3  }
0x36: {  	p1 =	seq.s32 s10, $0x1;
	s10 =	sld [smem:$0x3FBA];
	_ =	sdelay $0x3  }
0x37: {  	[smem:$0x3FBA] =	sst s10  }
0x38: {  	s10 =	sld [smem:$0x3FBB]  }
0x39: {  	_ = 	snop;
	(pc) =	sbr.ind lr, $3  }
0x3a: {  	_ = 	snop  }
0x3b: {  	_ = 	snop  }
0x3c: {  	p2 =	seq.s32 s10, $0x1;
	s10 =	sld [smem:$0x3FBA]  }
0x3d: {  	_ =	shalt  }
0x3e: {  	_ =	shalt  }
0x3f: {  	_ =	shalt  }
0x40: {  	_ =	shalt  }
0x41: {  	_ =	shalt  }
0x42: {  	_ =	shalt  }
0x43: {  	_ =	shalt  }
0x44: {  	_ =	shalt  }
0x45: {  	_ =	shalt  }
0x46: {  	_ =	shalt  }
0x47: {  	_ =	shalt  }
0x48: {  	_ =	shalt  }
0x49: {  	_ =	shalt  }
0x4a: {  	_ =	shalt  }
0x4b: {  	_ =	shalt  }
0x4c: {  	_ =	shalt  }
0x4d: {  	_ =	shalt  }
0x4e: {  	_ =	shalt  }
0x4f: {  	_ =	shalt  }
0x50: {  	_ =	shalt  }
0x51: {  	_ =	shalt  }
0x52: {  	_ =	shalt  }
0x53: {  	_ =	shalt  }
0x54: {  	_ =	shalt  }
0x55: {  	_ =	shalt  }
0x56: {  	_ =	shalt  }
0x57: {  	_ =	shalt  }
0x58: {  	_ =	shalt  }
0x59: {  	_ =	shalt  }
0x5a: {  	_ =	shalt  }
0x5b: {  	_ =	shalt  }
0x5c: {  	_ =	shalt  }
0x5d: {  	_ =	shalt  }
0x5e: {  	_ =	shalt  }
0x5f: {  	_ =	shalt  }
0x60: {  	_ =	shalt  }
0x61: {  	_ =	shalt  }
0x62: {  	_ =	shalt  }
0x63: {  	_ =	shalt  }
0x64: {  	_ =	shalt  }
0x65: {  	_ =	shalt  }
0x66: {  	_ =	shalt  }
0x67: {  	_ =	shalt  }
0x68: {  	_ =	shalt  }
0x69: {  	_ =	shalt  }
0x6a: {  	_ =	shalt  }
0x6b: {  	_ =	shalt  }
0x6c: {  	_ =	shalt  }
0x6d: {  	_ =	shalt  }
0x6e: {  	_ =	shalt  }
0x6f: {  	_ =	shalt  }
0x70: {  	_ =	shalt  }
0x71: {  	_ =	shalt  }
0x72: {  	_ =	shalt  }
0x73: {  	_ =	shalt  }
0x74: {  	_ =	shalt  }
0x75: {  	_ =	shalt  }
0x76: {  	_ =	shalt  }
0x77: {  	_ =	shalt  }
0x78: {  	_ =	shalt  }
0x79: {  	_ =	shalt  }
0x7a: {  	_ =	shalt  }
0x7b: {  	_ =	shalt  }
0x7c: {  	_ =	shalt  }
0x7d: {  	_ =	shalt  }
0x7e: {  	_ =	shalt  }
0x7f: {  	_ =	shalt  }
0x80: {  	_ =	shalt  }
0x81: {  	_ =	shalt  }
0x82: {  	_ =	shalt  }
0x83: {  	_ =	shalt  }
0x84: {  	_ =	shalt  }
0x85: {  	_ =	shalt  }
0x86: {  	_ =	shalt  }
0x87: {  	_ =	shalt  }
.Lfunc_end0:
.L_simem_size_0:
called_computation_lowered:
.L_overlay_start_0:
0x88: {  	s2 =	sld [smem:$0x3FD9]  }
0x89: {  	s3 =	sld [smem:$0x3FFE];
	_ =	sdelay $0x1  }
0x8a: {  	s1 =	srdreg.scid  }
0x8b: {  	s0 =	sand.u32 $0x1, s1  }
0x8c: {  	s17 =	sshll.u32 s0, $0xA;
	s2 =	sadd.s32 s3, s2  }
0x8d: {  	s2 =	sadd.s32 s2, s17  }
0x8e: {  	[smem:$0x3FC6] =	sst s2  }
0x8f: {  	_ = 	snop  }
0x90: {  	s2 =	sld [smem:$0x3FD0];
	(tm) =	ssettm $0x1  }
0x91: {  	s18 =	sld [smem:$0x3FFB];
	_ =	sdelay $0x3  }
0x92: {  	_ =	strace s18  }
0x93: {  	s3 =	sld [smem:$0x3FFC];
	_ =	sdelay $0x3  }
0x94: {  	_ =	strace s3  }
0x95: {  	s3 =	sld [smem:$0x3FFD];
	_ =	sdelay $0x3  }
0x96: {  	_ =	strace s3  }
0x97: {  	_ =	strace $0x8FFFFFFF  }
0x98: {  	s19 =	sld [smem:$0x3FDB];
	_ =	sdelay $0x1  }
0x99: {  	s4 =	simm.s32 $_scs_section_size  }
0x9a: {  	s5 =	simm.s32 $_size__tile_overlayer_lowered;
	s6 =	simm.s32 $_tile_overlayer_lowered  }
0x9b: {  	s22 =	simm.s32 $0x1BFF;
	s21 =	sshll.u32 s6, $0x1;
	s3 =	sadd.s32 s4, s19  }
0x9c: {  	s7 =	simm.s32 $0x0;
	s20 =	sshll.u32 s5, $0x1;
	s5 =	sadd.s32 s21, s3  }
0x9d: {  	[timem:s7], [sflag:s22] =	dma.local [hbm:s5], s20  }
0x9e: {  	_ =	swait.ge [sflag:s22], s20  }
0x9f: {  	s4 =	ssub.s32 $0x0, s20;
	[sflag:s22] =	ssyncset.done $0x0  }
0xa0: {  	[sflag:s22] =	ssyncadd.s32 s4;
	_ =	sdelay $0x1  }
0xa1: {  	s23 =	simm.s32 $0x1B8B  }
0xa2: {  	_ =	swait.ge [sflag:s23], $0x1  }
0xa3: {  	[sflag:s23] =	ssyncset.done $0x0  }
0xa4: {  	s25 =	simm.s32 $0x1B8E;
	s24 =	sld [smem:$0x3FFE];
	[sflag:s23] =	ssyncadd.s32 $0xFFFFFFFF  }
0xa5: {  	s26 =	simm.s32 $execute0_lowered;
	[smem:$0x3FD2] =	sst s25  }
0xa6: {  	s5 =	sshll.u32 s26, $0x1;
	_ =	strace $0x80000046;
	[dreg:$0x1] =	wrdreg $0xFFFFFFFF  }
0xa7: {  	s28 =	simm.s32 $_size_execute0_lowered;
	s3 =	sadd.s32 s3, s5;
	[dreg:$0x0] =	wrdreg $0x0  }
0xa8: {  	s5 =	sshll.u32 s28, $0x1;
	[dreg:$0x2] =	wrdreg s3  }
0xa9: {  	[dreg:$0x3] =	wrdreg s5  }
0xaa: {  	[dreg:$0x4] =	wrdreg $0xC0  }
0xab: {  	_ =	task [dreg:s7], $0x5FFFF  }
0xac: {  	[dreg:$0x1] =	wrdreg $0xFFFFFFFF  }
0xad: {  	[dreg:$0x0] =	wrdreg $0x60  }
0xae: {  	[dreg:$0x2] =	wrdreg s24  }
0xaf: {  	[dreg:$0x3] =	wrdreg s2  }
0xb0: {  	[dreg:$0x4] =	wrdreg $0x9  }
0xb1: {  	_ =	task.clear_ibuf [dreg:s7], $0x5FFFF;
	_ =	strace $0x90000046  }
0xb2: {  	s29 =	simm.s32 $0x9;
	_ =	strace $0x80000048  }
0xb3: {  	_ =	swait.ge [sflag:s29], $0x1  }
0xb4: {  	[sflag:s29] =	ssyncadd.s32 $0xFFFFFFFF  }
0xb5: {  	_ =	strace $0x90000048  }
0xb6: {  	_ =	sfence  }
0xb7: {  	s30 =	sld [smem:$0x0];
	_ =	sdelay $0x2  }
0xb8: {  	s31 =	sshll.u32 s1, $0xD;
	s1 =	sshrl.u32 s1, $0x2  }
0xb9: {  	s3 =	sand.u32 $0x4000, s31;
	s1 =	sadd.s32 s1, s30  }
0xba: {  	s0 =	sor.u32 s3, s0;
	s1 =	sshll.u32 s1, $0x11  }
0xbb: {  	s0 =	sor.u32 s1, s0  }
0xbc: {  	s0 =	sadd.s32 $0x8F2B, s0  }
0xbd: {  	[sflag:s0] =	ssyncadd.remote.s32 $0x1  }
0xbe: {  	_ =	sfence.sel $0xFFFF  }
0xbf: {  	[dreg:$0x0] =	wrdreg $0xFFFFFFFF;
	(pc) =	sbr.abs _section_cstart, $3  }
0xc0: {  	[dreg:$0x1] =	wrdreg $0xFFFFFFFF  }
0xc1: {  	_ =	task.clear_ibuf [dreg:s7], $0x2FFFF;
	_ =	strace $0x9FFFFFFF  }
0xc2: {  	(tm) =	ssettm $0x7FFFFFFF  }
0xc3: {  	_ =	shalt  }
tec
execute0_lowered:
.L_overlay_start_1:
0x0: {  	(tag) =	ssettag $0x1  }
0x1: {  	s3 =	rddreg [dreg:$0x0]  }
0x2: {  	s5 =	rddreg [dreg:$0x1]  }
0x3: {  	s0 =	rddreg [dreg:$0x2];
	s2 =	simm.s32 $0x0;
	s4 =	srdreg.scid  }
0x4: {  	s1 =	stileid.u32;
	s10 =	simm.s32 $0x1;
	s11 =	simm.s32 $0x2  }
0x5: {  	s12 =	simm.s32 $0x420;
	s13 =	simm.s32 $0x3;
	s14 =	simm.s32 $0x0  }
0x6: {  	[smem:$0x7FF] =	sst s2;
	s4 =	sand.u32 $0x1, s4;
	s6 =	sshll.u32 s1, $0x2  }
0x7: {  	s7 =	sshll.u32 s1, $0xA;
	s8 =	sshll.u32 s4, $0x9;
	s6 =	sand.u32 $0x30, s6  }
0x8: {  	s4 =	ssub.s32 $0x2, s4;
	_ =	strace $0x80000047;
	s7 =	sor.u32 s8, s7  }
0x9: {  	s6 =	sadd.s32 s6, s3;
	s30 =	sshrl.u32 s4, $0x1;
	s3 =	sadd.s32 $0x1400, s3  }
0xa: {  	s9 =	sand.u32 $0xE00, s7;
	s8 =	ssub.s32 s4, s30;
	s5 =	sadd.s32 s5, s7  }
0xb: {  	s7 =	simm.s32 $0x400;
	s31 =	sadd.s32 s9, s6;
	s6 =	smax.u32 s8, $0x1  }
0xc: {  	s8 =	simm.s32 $0x80;
	s9 =	simm.s32 $0x200;
	s4 =	sadd.s32 $0x400, s31  }
.LBB2_1:
0xd: {  	[tilespmem:s7], [sflag:$0x1] =	stream.linear.gather [hbm4b:s3+s2], $0x20, $0x38;
	[tilespmem:$0x1420] =	vst v63  }
0xe: {  	_ = 	snop  }
0xf: {  	[tilespmem:s2], [sflag:$0x2] =	stream.strided.gather [hbm4b:s4+s8], $0x400, s9, s8, $0x38;
	[tilespmem:$0x1420] =	vst v63  }
0x10: {  	_ =	swait.ge [sflag:s10], $0x20  }
0x11: {  	[sflag:s10] =	ssyncset.done $0x0  }
0x12: {  	[sflag:s10] =	ssyncadd.s32 $0xFFFFFFE0  }
0x13: {  	_ =	swait.ge [sflag:s11], $0x400  }
0x14: {  	s15 =	simm.s32 $0xFFFFFFFC;
	[sflag:s11] =	ssyncset.done $0x0  }
0x15: {  	s16 =	simm.s32 $0x0;
	s17 =	simm.s32 $0x0;
	[sflag:s11] =	ssyncadd.s32 $0xFFFFFC00  }
.LBB2_2:
0x16: {  	s18 =	sand.u32 $0xE00, s16  }
0x17: {  	s19 =	sand.u32 $0x40, s17;
	s20 =	sshrl.u32 s18, $0x2  }
0x18: {  	s21 =	sor.u32 s19, s20  }
0x19: {  	v0 =	vld [tilespmem:s21+$0x0];
	_ =	sdelay $0x7  }
0x1a: {  	v1 =	vld.idx.msk [tilespmem:v0+s7+$0x0], $0xffff  }
0x1b: {  	v2 =	vadd.s32 $0x8, v0;
	_ =	sdelay $0x1  }
0x1c: {  	s18 =	sadd.s32 $0x420, s18  }
0x1d: {  	s25 =	sor.u32 s19, s18  }
0x1e: {  	[tilespmem:s25+$0x0] =	vst v1  }
0x1f: {  	v1 =	vld.idx.msk [tilespmem:v2+s7+$0x0], $0xffff  }
0x20: {  	v57 =	vadd.s32 $0x10, v0;
	_ =	sdelay $0x3  }
0x21: {  	[tilespmem:s25+$0x80] =	vst v1  }
0x22: {  	v1 =	vld.idx.msk [tilespmem:v57+s7+$0x0], $0xffff  }
0x23: {  	v0 =	vadd.s32 $0x18, v0;
	_ =	sdelay $0x3  }
0x24: {  	[tilespmem:s25+$0x100] =	vst v1  }
0x25: {  	v0 =	vld.idx.msk [tilespmem:v0+s7+$0x0], $0xffff;
	_ =	sdelay $0x3  }
0x26: {  	s22 =	sor.u32 $0x10, s19  }
0x27: {  	s26 =	sor.u32 s22, s20;
	[tilespmem:s25+$0x180] =	vst v0  }
0x28: {  	v0 =	vld [tilespmem:s26+$0x0];
	_ =	sdelay $0x7  }
0x29: {  	v1 =	vld.idx.msk [tilespmem:v0+s7+$0x0], $0xffff  }
0x2a: {  	v58 =	vadd.s32 $0x8, v0;
	_ =	sdelay $0x2  }
0x2b: {  	s28 =	sor.u32 s22, s18  }
0x2c: {  	[tilespmem:s28+$0x0] =	vst v1  }
0x2d: {  	v1 =	vld.idx.msk [tilespmem:v58+s7+$0x0], $0xffff  }
0x2e: {  	v59 =	vadd.s32 $0x10, v0;
	_ =	sdelay $0x3  }
0x2f: {  	[tilespmem:s28+$0x80] =	vst v1  }
0x30: {  	v1 =	vld.idx.msk [tilespmem:v59+s7+$0x0], $0xffff  }
0x31: {  	v0 =	vadd.s32 $0x18, v0;
	_ =	sdelay $0x3  }
0x32: {  	[tilespmem:s28+$0x100] =	vst v1  }
0x33: {  	v0 =	vld.idx.msk [tilespmem:v0+s7+$0x0], $0xffff;
	_ =	sdelay $0x3  }
0x34: {  	s29 =	sor.u32 $0x20, s19  }
0x35: {  	s30 =	sor.u32 s29, s20;
	[tilespmem:s28+$0x180] =	vst v0  }
0x36: {  	v0 =	vld [tilespmem:s30+$0x0];
	_ =	sdelay $0x7  }
0x37: {  	v1 =	vld.idx.msk [tilespmem:v0+s7+$0x0], $0xffff  }
0x38: {  	v60 =	vadd.s32 $0x8, v0;
	_ =	sdelay $0x2  }
0x39: {  	s31 =	sadd.s32 s29, s18  }
0x3a: {  	[tilespmem:s31+$0x0] =	vst v1  }
0x3b: {  	v1 =	vld.idx.msk [tilespmem:v60+s7+$0x0], $0xffff  }
0x3c: {  	v61 =	vadd.s32 $0x10, v0;
	_ =	sdelay $0x3  }
0x3d: {  	[tilespmem:s31+$0x80] =	vst v1  }
0x3e: {  	v1 =	vld.idx.msk [tilespmem:v61+s7+$0x0], $0xffff  }
0x3f: {  	v0 =	vadd.s32 $0x18, v0;
	_ =	sdelay $0x3  }
0x40: {  	[tilespmem:s31+$0x100] =	vst v1  }
0x41: {  	v0 =	vld.idx.msk [tilespmem:v0+s7+$0x0], $0xffff;
	_ =	sdelay $0x3  }
0x42: {  	s19 =	sor.u32 $0x30, s19  }
0x43: {  	s20 =	sor.u32 s19, s20;
	[tilespmem:s31+$0x180] =	vst v0  }
0x44: {  	v0 =	vld [tilespmem:s20+$0x0];
	_ =	sdelay $0x7  }
0x45: {  	v1 =	vld.idx.msk [tilespmem:v0+s7+$0x0], $0xffff  }
0x46: {  	v62 =	vadd.s32 $0x8, v0;
	_ =	sdelay $0x2  }
0x47: {  	s18 =	sadd.s32 s19, s18  }
0x48: {  	[tilespmem:s18+$0x0] =	vst v1  }
0x49: {  	v1 =	vld.idx.msk [tilespmem:v62+s7+$0x0], $0xffff  }
0x4a: {  	v63 =	vadd.s32 $0x10, v0;
	_ =	sdelay $0x3  }
0x4b: {  	[tilespmem:s18+$0x80] =	vst v1  }
0x4c: {  	v1 =	vld.idx.msk [tilespmem:v63+s7+$0x0], $0xffff  }
0x4d: {  	v0 =	vadd.s32 $0x18, v0;
	_ =	sdelay $0x3  }
0x4e: {  	s15 =	sadd.s32 $0x4, s15;
	[tilespmem:s18+$0x100] =	vst v1  }
0x4f: {  	p0 =	slt.u32 s15, $0x3C;
	v0 =	vld.idx.msk [tilespmem:v0+s7+$0x0], $0xffff  }
.Ltmp0:
0x50: {  	_ = 	snop;
	(pc) =	sbr.rel @p0 .LBB2_2-.Ltmp0, $2  }
0x51: {  	_ =	sdelay $0x2  }
0x52: {  	s17 =	sadd.s32 $0x40, s17;
	s16 =	sadd.s32 $0x100, s16;
	[tilespmem:s18+$0x180] =	vst v0  }
0x53: {  	s14 =	sadd.s32 $0x1, s14  }
0x54: {  	p0 =	sne.s32 s14, s6  }
.Ltmp1:
0x55: {  	_ = 	snop;
	(pc) =	sbr.rel @p0 .LBB2_1-.Ltmp1, $4  }
0x56: {  	[hbm4b:s5+s2] =	stream.linear.scatter [tilespmem:s12], [sflag:$0x3], $0x1000, $0x38;
	[tilespmem:$0x1420] =	vst v63  }
0x57: {  	_ =	swait.ge [sflag:s13], $0x1000  }
0x58: {  	[sflag:s13] =	ssyncset.done $0x0  }
0x59: {  	[sflag:s13] =	ssyncadd.s32 $0xFFFFF000  }
0x5a: {  	_ =	sfence.sel $0x180000  }
0x5b: {  	[bflag:$0x0] =	sbarrier.arrive $0xFFFF  }
0x5c: {  	p0 =	sne.s32 s1, $0x0;
	_ =	strace $0x90000047  }
0x5d: {  	s0 =	sadd.s32 @!p0 $0x100000, s0;
	[bflag:$0x2] =	sbarrier.arrive $0xFFFF  }
0x5e: {  	[sflag:s0] =	ssyncadd.tile.s32 @!p0 $0x1;
	_ =	shalt  }
.Lfunc_end2:
_tile_overlayer_lowered:
.L_overlay_start_2:
0x5f: {  	(tag) =	ssettag $0x2  }
0x60: {  	s0 =	rddreg [dreg:$0x0];
	s2 =	stileid.u32  }
0x61: {  	s1 =	rddreg [dreg:$0x1];
	p0 =	sne.s32 s2, $0x0  }
0x62: {  	s3 =	rddreg [dreg:$0x2];
	[bflag:$0x3] =	sbarrier.arrive $0xFFFF;
	s2 =	simm.s32 @!p0 $0x1C03  }
0x63: {  	[timem:s3], [sflag:s2] =	dma.local @!p0 [hbm:s0], s1  }
0x64: {  	s0 =	simm.s32 @!p0 $0x3  }
0x65: {  	_ =	swait.ge @!p0 [sflag:s0], s1  }
0x66: {  	s1 =	ssub.s32 @!p0 $0x0, s1;
	[sflag:s0] =	ssyncset.done @!p0 $0x0  }
0x67: {  	[sflag:s0] =	ssyncadd.s32 @!p0 s1  }
0x68: {  	[bflag:$0x3] =	sbarrier.arrive $0xFFFF  }
0x69: {  	_ =	shalt  }

</sc_bundles>
